<compile_context>
chip_gen: v7x
topology: tpu7x:2x2x1
jax: 0.10.2.dev20260603
libtpu: 0.0.44.dev20260713+nightly
codegen_flags: <defaults>
</compile_context>

<pallas_src>
import functools

import jax
import jax.numpy as jnp
from jax import lax
from jax.experimental import pallas as pl
from jax.experimental.pallas import tpu as pltpu
from jax.experimental.pallas import tpu_sc as plsc

_N, _C, _H, _W = 4, 256, 14, 14
_P = _H * _W
_B = _N * _P
_S = 512
_NELEM = _N * _C * _P

_DIMS = (((1,), (0,)), ((), ()))

_NWORK = 14
_BPW = _B // _NWORK


def _tc_body(x_ref, cb_ref, loss_ref, idx_ref):
    cb = cb_ref[...]
    c2 = jnp.sum(cb * cb, axis=1, keepdims=True)
    iota = jax.lax.broadcasted_iota(jnp.int32, (_S, _P), 0)
    acc = jnp.float32(0.0)
    for n in range(_N):
        xn = x_ref[n]
        dot = jax.lax.dot_general(cb, xn, _DIMS,
                                  preferred_element_type=jnp.float32,
                                  precision=jax.lax.Precision.HIGHEST)
        scores = c2 - 2.0 * dot
        minval = jnp.min(scores, axis=0)
        idx = jnp.min(jnp.where(scores == minval[None, :], iota, _S),
                      axis=0)
        idx_ref[n, 0, :] = idx
        x2 = jnp.sum(xn * xn, axis=0)
        acc += jnp.sum(x2 + minval)
    loss_ref[...] = jnp.reshape(acc / _NELEM, (1, 1))


def _sc_gather(cb_hbm, idx_hbm, out_hbm, idx_v, rows_v, sem):
    wid = lax.axis_index("s") * 2 + lax.axis_index("c")

    @pl.when(wid < _NWORK)
    def _():
        base = wid * _BPW
        pltpu.sync_copy(idx_hbm.at[pl.ds(base, _BPW)], idx_v)
        pltpu.async_copy(cb_hbm.at[idx_v], rows_v, sem).wait()
        pltpu.sync_copy(rows_v, out_hbm.at[pl.ds(base, _BPW)])


_sc_gather_call = functools.partial(
    pl.kernel,
    mesh=plsc.VectorSubcoreMesh(core_axis_name="c", subcore_axis_name="s"),
    out_type=jax.ShapeDtypeStruct((_B, _C), jnp.float32),
    scratch_types=[
        pltpu.VMEM((_BPW,), jnp.int32),
        pltpu.VMEM((_BPW, _C), jnp.float32),
        pltpu.SemaphoreType.DMA,
    ],
)(_sc_gather)


@functools.partial(jax.jit, static_argnames=())
def kernel(x, codebook):
    x_flat = x.reshape(_N, _C, _P)
    loss2d, idx3d = pl.pallas_call(
        _tc_body,
        out_shape=(
            jax.ShapeDtypeStruct((1, 1), jnp.float32),
            jax.ShapeDtypeStruct((_N, 1, _P), jnp.int32),
        ),
    )(x_flat, codebook)
    idx_flat = idx3d.reshape(_B)
    rows = _sc_gather_call(codebook, idx_flat)
    loss = loss2d[0, 0]
    codebook_indices = idx3d.reshape(_N, _H, _W)
    output = jnp.transpose(rows.reshape(_N, _P, _C), (0, 2, 1)).reshape(
        _N, _C, _H, _W)
    return (loss, codebook_indices, output)

# --- scband reference (transcript-rebuilt; emitter-appended) ---
"""Pipeline reference for scband-vq-vae-ema-41729902248239 (READ-ONLY COPY).

The authoritative reference and input builder live on the scoring server;
editing this copy changes nothing except your own understanding.
"""

import jax, jax.numpy as jnp
import numpy as np

CODEBOOK_SIZE = 512
IN_FEATURES = 256


def setup_inputs(seed: int = 0) -> dict:
    key = jax.random.key(seed)
    k1, k2 = jax.random.split(key)
    x = jax.random.normal(k1, (4, 256, 14, 14), dtype=jnp.float32)
    codebook = jax.random.normal(k2, (CODEBOOK_SIZE, IN_FEATURES), dtype=jnp.float32) / IN_FEATURES
    return {"x": x, "codebook": codebook}


def reference(x, codebook):
    # Faithful eval-mode (research_mode=True) forward of VQ_VAE_ema.
    N, C = x.shape[0], x.shape[1]
    x_flat = x.reshape(N, C, -1)  # [N, C, P]
    # distance: broadcasted pairwise squared L2, matching torch exactly -> [N, S, P]
    d = ((x_flat[:, None, :, :] - codebook[None, :, :, None]) ** 2).sum(axis=2)
    encoding_indices = jnp.argmin(d, axis=1)  # [N, P]
    x_q = codebook[encoding_indices]  # gather: [N, P, C]
    x_quantized = jnp.transpose(x_q, (0, 2, 1)).reshape(x.shape)  # [N, C, H, W]
    loss_commitment = jnp.mean((x - jax.lax.stop_gradient(x_quantized)) ** 2)
    codebook_indices = encoding_indices.reshape((-1,) + x.shape[2:])
    output = x + jax.lax.stop_gradient(x_quantized - x)  # straight-through
    return (loss_commitment, codebook_indices, output)

if __name__ == "__main__":
    import jax
    _d = setup_inputs()
    print(jax.jit(kernel)(*tuple(_d.values())))

</pallas_src>

<mosaic_0001>
#map = affine_map<(d0, d1) -> (0, 0)>
#map1 = affine_map<(d0, d1) -> (0)>
module attributes {stable_mosaic.version = 14 : i64} {
  func.func @_sc_gather(%arg0: i32, %arg1: i32, %arg2: memref<512x256xf32, #tpu.memory_space<hbm>>, %arg3: memref<784xi32, #tpu.memory_space<hbm>>, %arg4: memref<784x256xf32, #tpu.memory_space<hbm>>, %arg5: memref<56xi32, #tpu.memory_space<vmem>>, %arg6: memref<56x256xf32, #tpu.memory_space<vmem>>, %arg7: memref<!tpu.dma_semaphore, #tpu.memory_space<semaphore_mem>>) attributes {dimension_semantics = [#tpu.dimension_semantics<core_parallel>, #tpu.dimension_semantics<subcore_parallel>], iteration_bounds = array<i64: 2, 16>, scalar_prefetch = 0 : i64, scratch_operands = 3 : i64, tpu.core_type = #tpu.core_type<sc_vector_subcore>, window_params = [{transform_indices = #map}, {transform_indices = #map1}, {transform_indices = #map}]} {
    %mul3A = arith.constant 2 : i32
    %mul3A_0 = arith.muli %arg1, %mul3A : i32
    %add3A = arith.addi %mul3A_0, %arg0 : i32
    %lt3A = arith.constant 14 : i32
    %lt3A_1 = arith.cmpi slt, %add3A, %lt3A : i32
    %convert_element_type3A = arith.extui %lt3A_1 : i1 to i32
    %cond3A = arith.constant 0 : i32
    %cond3A_2 = arith.cmpi ne, %convert_element_type3A, %cond3A : i32
    scf.if %cond3A_2 {
      %mul3A_3 = arith.constant 56 : i32
      %mul3A_4 = arith.muli %add3A, %mul3A_3 : i32
      "tpu.region"() ({
        %run_scoped3A = tpu.sem_alloc : memref<!tpu.dma_semaphore, #tpu.memory_space<semaphore_mem>>
        %dma_start3A_9 = tpu.memref_slice %arg3[%mul3A_4] : memref<784xi32, #tpu.memory_space<hbm>> -> memref<56xi32, #tpu.memory_space<hbm>>
        %dma_start3A_10 = tpu.memref_slice %arg3[%mul3A_4] : memref<784xi32, #tpu.memory_space<hbm>> -> memref<56xi32, #tpu.memory_space<hbm>>
        tpu.enqueue_dma source(%dma_start3A_10 : memref<56xi32, #tpu.memory_space<hbm>>) target(%arg5 : memref<56xi32, #tpu.memory_space<vmem>>) target_semaphore(%run_scoped3A : memref<!tpu.dma_semaphore, #tpu.memory_space<semaphore_mem>>)
        %dma_wait3A_11 = tpu.memref_slice %arg3[%mul3A_4] : memref<784xi32, #tpu.memory_space<hbm>> -> memref<56xi32, #tpu.memory_space<hbm>>
        %dma_wait3A_12 = tpu.memref_slice %arg3[%mul3A_4] : memref<784xi32, #tpu.memory_space<hbm>> -> memref<56xi32, #tpu.memory_space<hbm>>
        tpu.wait_dma2 semaphore(%run_scoped3A : memref<!tpu.dma_semaphore, #tpu.memory_space<semaphore_mem>>) src(%dma_wait3A_12 : memref<56xi32, #tpu.memory_space<hbm>>) dst(%arg5 : memref<56xi32, #tpu.memory_space<vmem>>)
        tpu.yield
      }) : () -> ()
      %dma_start3A = arith.constant 0 : i32
      %dma_start3A_5 = arith.constant 0 : i32
      %dma_start3A_6 = tpu.memref_slice %arg2[%dma_start3A, %dma_start3A_5] : memref<512x256xf32, #tpu.memory_space<hbm>> -> memref<512x256xf32, #tpu.memory_space<hbm>>
      tpu.enqueue_indirect_dma source(%dma_start3A_6 : memref<512x256xf32, #tpu.memory_space<hbm>>) target(%arg6 : memref<56x256xf32, #tpu.memory_space<vmem>>) offsets(%arg5 : memref<56xi32, #tpu.memory_space<vmem>>) semaphore(%arg7 : memref<!tpu.dma_semaphore, #tpu.memory_space<semaphore_mem>>)
      %dma_wait3A = arith.constant 0 : i32
      %dma_wait3A_7 = arith.constant 0 : i32
      %dma_wait3A_8 = tpu.memref_slice %arg2[%dma_wait3A, %dma_wait3A_7] : memref<512x256xf32, #tpu.memory_space<hbm>> -> memref<512x256xf32, #tpu.memory_space<hbm>>
      tpu.wait_indirect_dma semaphore(%arg7 : memref<!tpu.dma_semaphore, #tpu.memory_space<semaphore_mem>>) src(%dma_wait3A_8 : memref<512x256xf32, #tpu.memory_space<hbm>>) dst(%arg6 : memref<56x256xf32, #tpu.memory_space<vmem>>)
      "tpu.region"() ({
        %run_scoped3A = tpu.sem_alloc : memref<!tpu.dma_semaphore, #tpu.memory_space<semaphore_mem>>
        %dma_start3A_9 = arith.constant 0 : i32
        %dma_start3A_10 = tpu.memref_slice %arg4[%mul3A_4, %dma_start3A_9] : memref<784x256xf32, #tpu.memory_space<hbm>> -> memref<56x256xf32, #tpu.memory_space<hbm>>
        %dma_start3A_11 = arith.constant 0 : i32
        %dma_start3A_12 = tpu.memref_slice %arg4[%mul3A_4, %dma_start3A_11] : memref<784x256xf32, #tpu.memory_space<hbm>> -> memref<56x256xf32, #tpu.memory_space<hbm>>
        tpu.enqueue_dma source(%arg6 : memref<56x256xf32, #tpu.memory_space<vmem>>) target(%dma_start3A_12 : memref<56x256xf32, #tpu.memory_space<hbm>>) target_semaphore(%run_scoped3A : memref<!tpu.dma_semaphore, #tpu.memory_space<semaphore_mem>>)
        %dma_wait3A_13 = arith.constant 0 : i32
        %dma_wait3A_14 = tpu.memref_slice %arg4[%mul3A_4, %dma_wait3A_13] : memref<784x256xf32, #tpu.memory_space<hbm>> -> memref<56x256xf32, #tpu.memory_space<hbm>>
        %dma_wait3A_15 = arith.constant 0 : i32
        %dma_wait3A_16 = tpu.memref_slice %arg4[%mul3A_4, %dma_wait3A_15] : memref<784x256xf32, #tpu.memory_space<hbm>> -> memref<56x256xf32, #tpu.memory_space<hbm>>
        tpu.wait_dma2 semaphore(%run_scoped3A : memref<!tpu.dma_semaphore, #tpu.memory_space<semaphore_mem>>) src(%arg6 : memref<56x256xf32, #tpu.memory_space<vmem>>) dst(%dma_wait3A_16 : memref<56x256xf32, #tpu.memory_space<hbm>>)
        tpu.yield
      }) : () -> ()
    } else {
    }
    return
  }
}

module attributes {stable_mosaic.version = 14 : i64} {
  func.func @_tc_body(%arg0: memref<4x256x196xf32, #tpu.memory_space<vmem>>, %arg1: memref<512x256xf32, #tpu.memory_space<vmem>>, %arg2: memref<1x1xf32, #tpu.memory_space<vmem>>, %arg3: memref<4x1x196xi32, #tpu.memory_space<vmem>>) attributes {dimension_semantics = [], scalar_prefetch = 0 : i64, scratch_operands = 0 : i64, tpu.core_type = #tpu.core_type<tc>} {
    %get3A = arith.constant 0 : index
    %get3A_0 = arith.constant 0 : index
    %get3A_1 = vector.load %arg1[%get3A, %get3A_0] : memref<512x256xf32, #tpu.memory_space<vmem>>, vector<512x256xf32>
    %mul3A = arith.mulf %get3A_1, %get3A_1 : vector<512x256xf32>
    %reduce_sum3A = arith.constant dense<0.000000e+00> : vector<512xf32>
    %reduce_sum3A_2 = vector.multi_reduction <add>, %mul3A, %reduce_sum3A [1] : vector<512x256xf32> to vector<512xf32>
    %broadcast_in_dim3A = vector.shape_cast %reduce_sum3A_2 : vector<512xf32> to vector<512x1xf32>
    %iota3A = tpu.iota {dimensions = array<i32: 0>} : vector<512x196xi32>
    %get3A_3 = arith.constant 0 : index
    %get3A_4 = arith.constant 0 : index
    %get3A_5 = arith.constant 0 : index
    %get3A_6 = vector.load %arg0[%get3A_3, %get3A_4, %get3A_5] : memref<4x256x196xf32, #tpu.memory_space<vmem>>, vector<1x256x196xf32>
    %get3A_7 = vector.shape_cast %get3A_6 : vector<1x256x196xf32> to vector<256x196xf32>
    %dot_general3A = arith.constant dense<0.000000e+00> : vector<512x196xf32>
    %dot_general3A_8 = tpu.matmul %get3A_1, %get3A_7, %dot_general3A {dimension_numbers = #tpu.dot_dimension_numbers<[1], [0], [0], [1], [0, 0, 1, 1], [], []>, precision = #tpu.contract_precision<fp32>, transpose_lhs_hint = false} : vector<512x256xf32>, vector<256x196xf32>, vector<512x196xf32> -> vector<512x196xf32>
    %mul3A_9 = arith.constant 2.000000e+00 : f32
    %mul3A_10 = vector.broadcast %mul3A_9 : f32 to vector<512x196xf32>
    %mul3A_11 = arith.mulf %mul3A_10, %dot_general3A_8 : vector<512x196xf32>
    %sub3A = vector.broadcast %broadcast_in_dim3A : vector<512x1xf32> to vector<512x196xf32>
    %sub3A_12 = arith.subf %sub3A, %mul3A_11 : vector<512x196xf32>
    %reduce_min3A = arith.constant dense<0x7F800000> : vector<196xf32>
    %reduce_min3A_13 = vector.multi_reduction <minimumf>, %sub3A_12, %reduce_min3A [0] : vector<512x196xf32> to vector<196xf32>
    %broadcast_in_dim3A_14 = vector.shape_cast %reduce_min3A_13 : vector<196xf32> to vector<1x196xf32>
    %eq3A = vector.broadcast %broadcast_in_dim3A_14 : vector<1x196xf32> to vector<512x196xf32>
    %eq3A_15 = arith.cmpf oeq, %sub3A_12, %eq3A : vector<512x196xf32>
    %jit3A = arith.constant 512 : i32
    %broadcast_in_dim3A_16 = vector.broadcast %jit3A : i32 to vector<512x196xi32>
    %select_n3A = arith.select %eq3A_15, %iota3A, %broadcast_in_dim3A_16 : vector<512x196xi1>, vector<512x196xi32>
    %reduce_min3A_17 = arith.constant dense<2147483647> : vector<196xi32>
    %reduce_min3A_18 = vector.multi_reduction <minsi>, %select_n3A, %reduce_min3A_17 [0] : vector<512x196xi32> to vector<196xi32>
    %swap3A = arith.constant 0 : index
    %swap3A_19 = arith.constant 0 : index
    %swap3A_20 = arith.constant 0 : index
    %swap3A_21 = vector.load %arg3[%swap3A, %swap3A_19, %swap3A_20] : memref<4x1x196xi32, #tpu.memory_space<vmem>>, vector<1x1x196xi32>
    %swap3A_22 = vector.shape_cast %swap3A_21 : vector<1x1x196xi32> to vector<196xi32>
    %swap3A_23 = vector.shape_cast %reduce_min3A_18 : vector<196xi32> to vector<1x1x196xi32>
    tpu.vector_store %arg3[%swap3A, %swap3A_19, %swap3A_20], %swap3A_23 {strides = array<i32>} : memref<4x1x196xi32, #tpu.memory_space<vmem>>, vector<1x1x196xi32>,
    %mul3A_24 = arith.mulf %get3A_7, %get3A_7 : vector<256x196xf32>
    %reduce_sum3A_25 = arith.constant dense<0.000000e+00> : vector<196xf32>
    %reduce_sum3A_26 = vector.multi_reduction <add>, %mul3A_24, %reduce_sum3A_25 [0] : vector<256x196xf32> to vector<196xf32>
    %add3A = arith.addf %reduce_sum3A_26, %reduce_min3A_13 : vector<196xf32>
    %reduce_sum3A_27 = vector.shape_cast %add3A : vector<196xf32> to vector<1x196xf32>
    %reduce_sum3A_28 = arith.constant dense<0.000000e+00> : vector<1xf32>
    %reduce_sum3A_29 = vector.multi_reduction <add>, %reduce_sum3A_27, %reduce_sum3A_28 [1] : vector<1x196xf32> to vector<1xf32>
    %reduce_sum3A_30 = vector.shape_cast %reduce_sum3A_29 : vector<1xf32> to vector<1x1xf32>
    %reduce_sum3A_31 = vector.extract %reduce_sum3A_30[0, 0] : f32 from vector<1x1xf32>
    %add3A_32 = arith.constant 0.000000e+00 : f32
    %add3A_33 = arith.addf %add3A_32, %reduce_sum3A_31 : f32
    %get3A_34 = arith.constant 1 : index
    %get3A_35 = arith.constant 0 : index
    %get3A_36 = arith.constant 0 : index
    %get3A_37 = vector.load %arg0[%get3A_34, %get3A_35, %get3A_36] : memref<4x256x196xf32, #tpu.memory_space<vmem>>, vector<1x256x196xf32>
    %get3A_38 = vector.shape_cast %get3A_37 : vector<1x256x196xf32> to vector<256x196xf32>
    %dot_general3A_39 = arith.constant dense<0.000000e+00> : vector<512x196xf32>
    %dot_general3A_40 = tpu.matmul %get3A_1, %get3A_38, %dot_general3A_39 {dimension_numbers = #tpu.dot_dimension_numbers<[1], [0], [0], [1], [0, 0, 1, 1], [], []>, precision = #tpu.contract_precision<fp32>, transpose_lhs_hint = false} : vector<512x256xf32>, vector<256x196xf32>, vector<512x196xf32> -> vector<512x196xf32>
    %mul3A_41 = arith.constant 2.000000e+00 : f32
    %mul3A_42 = vector.broadcast %mul3A_41 : f32 to vector<512x196xf32>
    %mul3A_43 = arith.mulf %mul3A_42, %dot_general3A_40 : vector<512x196xf32>
    %sub3A_44 = vector.broadcast %broadcast_in_dim3A : vector<512x1xf32> to vector<512x196xf32>
    %sub3A_45 = arith.subf %sub3A_44, %mul3A_43 : vector<512x196xf32>
    %reduce_min3A_46 = arith.constant dense<0x7F800000> : vector<196xf32>
    %reduce_min3A_47 = vector.multi_reduction <minimumf>, %sub3A_45, %reduce_min3A_46 [0] : vector<512x196xf32> to vector<196xf32>
    %broadcast_in_dim3A_48 = vector.shape_cast %reduce_min3A_47 : vector<196xf32> to vector<1x196xf32>
    %eq3A_49 = vector.broadcast %broadcast_in_dim3A_48 : vector<1x196xf32> to vector<512x196xf32>
    %eq3A_50 = arith.cmpf oeq, %sub3A_45, %eq3A_49 : vector<512x196xf32>
    %jit3A_51 = arith.constant 512 : i32
    %broadcast_in_dim3A_52 = vector.broadcast %jit3A_51 : i32 to vector<512x196xi32>
    %select_n3A_53 = arith.select %eq3A_50, %iota3A, %broadcast_in_dim3A_52 : vector<512x196xi1>, vector<512x196xi32>
    %reduce_min3A_54 = arith.constant dense<2147483647> : vector<196xi32>
    %reduce_min3A_55 = vector.multi_reduction <minsi>, %select_n3A_53, %reduce_min3A_54 [0] : vector<512x196xi32> to vector<196xi32>
    %swap3A_56 = arith.constant 1 : index
    %swap3A_57 = arith.constant 0 : index
    %swap3A_58 = arith.constant 0 : index
    %swap3A_59 = vector.load %arg3[%swap3A_56, %swap3A_57, %swap3A_58] : memref<4x1x196xi32, #tpu.memory_space<vmem>>, vector<1x1x196xi32>
    %swap3A_60 = vector.shape_cast %swap3A_59 : vector<1x1x196xi32> to vector<196xi32>
    %swap3A_61 = vector.shape_cast %reduce_min3A_55 : vector<196xi32> to vector<1x1x196xi32>
    tpu.vector_store %arg3[%swap3A_56, %swap3A_57, %swap3A_58], %swap3A_61 {strides = array<i32>} : memref<4x1x196xi32, #tpu.memory_space<vmem>>, vector<1x1x196xi32>,
    %mul3A_62 = arith.mulf %get3A_38, %get3A_38 : vector<256x196xf32>
    %reduce_sum3A_63 = arith.constant dense<0.000000e+00> : vector<196xf32>
    %reduce_sum3A_64 = vector.multi_reduction <add>, %mul3A_62, %reduce_sum3A_63 [0] : vector<256x196xf32> to vector<196xf32>
    %add3A_65 = arith.addf %reduce_sum3A_64, %reduce_min3A_47 : vector<196xf32>
    %reduce_sum3A_66 = vector.shape_cast %add3A_65 : vector<196xf32> to vector<1x196xf32>
    %reduce_sum3A_67 = arith.constant dense<0.000000e+00> : vector<1xf32>
    %reduce_sum3A_68 = vector.multi_reduction <add>, %reduce_sum3A_66, %reduce_sum3A_67 [1] : vector<1x196xf32> to vector<1xf32>
    %reduce_sum3A_69 = vector.shape_cast %reduce_sum3A_68 : vector<1xf32> to vector<1x1xf32>
    %reduce_sum3A_70 = vector.extract %reduce_sum3A_69[0, 0] : f32 from vector<1x1xf32>
    %add3A_71 = arith.addf %add3A_33, %reduce_sum3A_70 : f32
    %get3A_72 = arith.constant 2 : index
    %get3A_73 = arith.constant 0 : index
    %get3A_74 = arith.constant 0 : index
    %get3A_75 = vector.load %arg0[%get3A_72, %get3A_73, %get3A_74] : memref<4x256x196xf32, #tpu.memory_space<vmem>>, vector<1x256x196xf32>
    %get3A_76 = vector.shape_cast %get3A_75 : vector<1x256x196xf32> to vector<256x196xf32>
    %dot_general3A_77 = arith.constant dense<0.000000e+00> : vector<512x196xf32>
    %dot_general3A_78 = tpu.matmul %get3A_1, %get3A_76, %dot_general3A_77 {dimension_numbers = #tpu.dot_dimension_numbers<[1], [0], [0], [1], [0, 0, 1, 1], [], []>, precision = #tpu.contract_precision<fp32>, transpose_lhs_hint = false} : vector<512x256xf32>, vector<256x196xf32>, vector<512x196xf32> -> vector<512x196xf32>
    %mul3A_79 = arith.constant 2.000000e+00 : f32
    %mul3A_80 = vector.broadcast %mul3A_79 : f32 to vector<512x196xf32>
    %mul3A_81 = arith.mulf %mul3A_80, %dot_general3A_78 : vector<512x196xf32>
    %sub3A_82 = vector.broadcast %broadcast_in_dim3A : vector<512x1xf32> to vector<512x196xf32>
    %sub3A_83 = arith.subf %sub3A_82, %mul3A_81 : vector<512x196xf32>
    %reduce_min3A_84 = arith.constant dense<0x7F800000> : vector<196xf32>
    %reduce_min3A_85 = vector.multi_reduction <minimumf>, %sub3A_83, %reduce_min3A_84 [0] : vector<512x196xf32> to vector<196xf32>
    %broadcast_in_dim3A_86 = vector.shape_cast %reduce_min3A_85 : vector<196xf32> to vector<1x196xf32>
    %eq3A_87 = vector.broadcast %broadcast_in_dim3A_86 : vector<1x196xf32> to vector<512x196xf32>
    %eq3A_88 = arith.cmpf oeq, %sub3A_83, %eq3A_87 : vector<512x196xf32>
    %jit3A_89 = arith.constant 512 : i32
    %broadcast_in_dim3A_90 = vector.broadcast %jit3A_89 : i32 to vector<512x196xi32>
    %select_n3A_91 = arith.select %eq3A_88, %iota3A, %broadcast_in_dim3A_90 : vector<512x196xi1>, vector<512x196xi32>
    %reduce_min3A_92 = arith.constant dense<2147483647> : vector<196xi32>
    %reduce_min3A_93 = vector.multi_reduction <minsi>, %select_n3A_91, %reduce_min3A_92 [0] : vector<512x196xi32> to vector<196xi32>
    %swap3A_94 = arith.constant 2 : index
    %swap3A_95 = arith.constant 0 : index
    %swap3A_96 = arith.constant 0 : index
    %swap3A_97 = vector.load %arg3[%swap3A_94, %swap3A_95, %swap3A_96] : memref<4x1x196xi32, #tpu.memory_space<vmem>>, vector<1x1x196xi32>
    %swap3A_98 = vector.shape_cast %swap3A_97 : vector<1x1x196xi32> to vector<196xi32>
    %swap3A_99 = vector.shape_cast %reduce_min3A_93 : vector<196xi32> to vector<1x1x196xi32>
    tpu.vector_store %arg3[%swap3A_94, %swap3A_95, %swap3A_96], %swap3A_99 {strides = array<i32>} : memref<4x1x196xi32, #tpu.memory_space<vmem>>, vector<1x1x196xi32>,
    %mul3A_100 = arith.mulf %get3A_76, %get3A_76 : vector<256x196xf32>
    %reduce_sum3A_101 = arith.constant dense<0.000000e+00> : vector<196xf32>
    %reduce_sum3A_102 = vector.multi_reduction <add>, %mul3A_100, %reduce_sum3A_101 [0] : vector<256x196xf32> to vector<196xf32>
    %add3A_103 = arith.addf %reduce_sum3A_102, %reduce_min3A_85 : vector<196xf32>
    %reduce_sum3A_104 = vector.shape_cast %add3A_103 : vector<196xf32> to vector<1x196xf32>
    %reduce_sum3A_105 = arith.constant dense<0.000000e+00> : vector<1xf32>
    %reduce_sum3A_106 = vector.multi_reduction <add>, %reduce_sum3A_104, %reduce_sum3A_105 [1] : vector<1x196xf32> to vector<1xf32>
    %reduce_sum3A_107 = vector.shape_cast %reduce_sum3A_106 : vector<1xf32> to vector<1x1xf32>
    %reduce_sum3A_108 = vector.extract %reduce_sum3A_107[0, 0] : f32 from vector<1x1xf32>
    %add3A_109 = arith.addf %add3A_71, %reduce_sum3A_108 : f32
    %get3A_110 = arith.constant 3 : index
    %get3A_111 = arith.constant 0 : index
    %get3A_112 = arith.constant 0 : index
    %get3A_113 = vector.load %arg0[%get3A_110, %get3A_111, %get3A_112] : memref<4x256x196xf32, #tpu.memory_space<vmem>>, vector<1x256x196xf32>
    %get3A_114 = vector.shape_cast %get3A_113 : vector<1x256x196xf32> to vector<256x196xf32>
    %dot_general3A_115 = arith.constant dense<0.000000e+00> : vector<512x196xf32>
    %dot_general3A_116 = tpu.matmul %get3A_1, %get3A_114, %dot_general3A_115 {dimension_numbers = #tpu.dot_dimension_numbers<[1], [0], [0], [1], [0, 0, 1, 1], [], []>, precision = #tpu.contract_precision<fp32>, transpose_lhs_hint = false} : vector<512x256xf32>, vector<256x196xf32>, vector<512x196xf32> -> vector<512x196xf32>
    %mul3A_117 = arith.constant 2.000000e+00 : f32
    %mul3A_118 = vector.broadcast %mul3A_117 : f32 to vector<512x196xf32>
    %mul3A_119 = arith.mulf %mul3A_118, %dot_general3A_116 : vector<512x196xf32>
    %sub3A_120 = vector.broadcast %broadcast_in_dim3A : vector<512x1xf32> to vector<512x196xf32>
    %sub3A_121 = arith.subf %sub3A_120, %mul3A_119 : vector<512x196xf32>
    %reduce_min3A_122 = arith.constant dense<0x7F800000> : vector<196xf32>
    %reduce_min3A_123 = vector.multi_reduction <minimumf>, %sub3A_121, %reduce_min3A_122 [0] : vector<512x196xf32> to vector<196xf32>
    %broadcast_in_dim3A_124 = vector.shape_cast %reduce_min3A_123 : vector<196xf32> to vector<1x196xf32>
    %eq3A_125 = vector.broadcast %broadcast_in_dim3A_124 : vector<1x196xf32> to vector<512x196xf32>
    %eq3A_126 = arith.cmpf oeq, %sub3A_121, %eq3A_125 : vector<512x196xf32>
    %jit3A_127 = arith.constant 512 : i32
    %broadcast_in_dim3A_128 = vector.broadcast %jit3A_127 : i32 to vector<512x196xi32>
    %select_n3A_129 = arith.select %eq3A_126, %iota3A, %broadcast_in_dim3A_128 : vector<512x196xi1>, vector<512x196xi32>
    %reduce_min3A_130 = arith.constant dense<2147483647> : vector<196xi32>
    %reduce_min3A_131 = vector.multi_reduction <minsi>, %select_n3A_129, %reduce_min3A_130 [0] : vector<512x196xi32> to vector<196xi32>
    %swap3A_132 = arith.constant 3 : index
    %swap3A_133 = arith.constant 0 : index
    %swap3A_134 = arith.constant 0 : index
    %swap3A_135 = vector.load %arg3[%swap3A_132, %swap3A_133, %swap3A_134] : memref<4x1x196xi32, #tpu.memory_space<vmem>>, vector<1x1x196xi32>
    %swap3A_136 = vector.shape_cast %swap3A_135 : vector<1x1x196xi32> to vector<196xi32>
    %swap3A_137 = vector.shape_cast %reduce_min3A_131 : vector<196xi32> to vector<1x1x196xi32>
    tpu.vector_store %arg3[%swap3A_132, %swap3A_133, %swap3A_134], %swap3A_137 {strides = array<i32>} : memref<4x1x196xi32, #tpu.memory_space<vmem>>, vector<1x1x196xi32>,
    %mul3A_138 = arith.mulf %get3A_114, %get3A_114 : vector<256x196xf32>
    %reduce_sum3A_139 = arith.constant dense<0.000000e+00> : vector<196xf32>
    %reduce_sum3A_140 = vector.multi_reduction <add>, %mul3A_138, %reduce_sum3A_139 [0] : vector<256x196xf32> to vector<196xf32>
    %add3A_141 = arith.addf %reduce_sum3A_140, %reduce_min3A_123 : vector<196xf32>
    %reduce_sum3A_142 = vector.shape_cast %add3A_141 : vector<196xf32> to vector<1x196xf32>
    %reduce_sum3A_143 = arith.constant dense<0.000000e+00> : vector<1xf32>
    %reduce_sum3A_144 = vector.multi_reduction <add>, %reduce_sum3A_142, %reduce_sum3A_143 [1] : vector<1x196xf32> to vector<1xf32>
    %reduce_sum3A_145 = vector.shape_cast %reduce_sum3A_144 : vector<1xf32> to vector<1x1xf32>
    %reduce_sum3A_146 = vector.extract %reduce_sum3A_145[0, 0] : f32 from vector<1x1xf32>
    %add3A_147 = arith.addf %add3A_109, %reduce_sum3A_146 : f32
    %div3A = arith.constant 2.007040e+05 : f32
    %div3A_148 = arith.divf %add3A_147, %div3A : f32
    %reshape3A = vector.broadcast %div3A_148 : f32 to vector<1x1xf32>
    %swap3A_149 = arith.constant 0 : index
    %swap3A_150 = arith.constant 0 : index
    %swap3A_151 = vector.load %arg2[%swap3A_149, %swap3A_150] : memref<1x1xf32, #tpu.memory_space<vmem>>, vector<1x1xf32>
    tpu.vector_store %arg2[%swap3A_149, %swap3A_150], %reshape3A {strides = array<i32>} : memref<1x1xf32, #tpu.memory_space<vmem>>, vector<1x1xf32>,
    return
  }
}

</mosaic_0001>

<sc_bundles>
// kernel: kernel.4.cloned.1.call-start
scs
__scs_entry_jumppad:
0x0: {  	(pc) =	sbr.rel $0x88, $3  }
0x1: {  	(tag) =	ssettag $0x0;
	lr =	simm.s32 $0x1  }
0x2: {  	[smem:$0x3F9F] =	sst lr;
	_ =	strace $0xD0000000  }
0x3: {  	_ = 	snop  }
0x4: {  	_ = 	snop  }
0x5: {  	_ = 	snop  }
0x6: {  	_ = 	snop  }
0x7: {  	_ = 	snop  }
__scs_overlays_trampoline_lowered:
0x8: {  	[smem:$0x3FAE] =	sst s0  }
0x9: {  	[smem:$0x3FAF] =	sst s1  }
0xa: {  	[smem:$0x3FB0] =	sst s2  }
0xb: {  	[smem:$0x3FB1] =	sst s3  }
0xc: {  	[smem:$0x3FB2] =	sst s4  }
0xd: {  	[smem:$0x3FB3] =	sst s5  }
0xe: {  	[smem:$0x3FB4] =	sst s6  }
0xf: {  	[smem:$0x3FB5] =	sst s7  }
0x10: {  	[smem:$0x3FB6] =	sst s8  }
0x11: {  	[smem:$0x3FB7] =	sst s9;
	s0 =	simm.s32 @!p0 $0x0  }
0x12: {  	s1 =	sld [smem:$0x3F9D];
	s0 =	simm.s32 @p0 $0x1  }
0x13: {  	[smem:$0x3FB8] =	sst s0;
	s0 =	simm.s32 @!p1 $0x0  }
0x14: {  	s2 =	sld [smem:$0x3F9C];
	s0 =	simm.s32 @p1 $0x1  }
0x15: {  	[smem:$0x3FB9] =	sst s0;
	s0 =	simm.s32 @!p2 $0x0  }
0x16: {  	s3 =	sld [smem:$0x3FDB];
	s0 =	simm.s32 @p2 $0x1  }
0x17: {  	s4 =	simm.s32 $0x1BF5;
	[smem:$0x3FBB] =	sst s0  }
0x18: {  	s0 =	sld [smem:$0x3F9E];
	_ =	swait.ge [sflag:s4], $0x0  }
0x19: {  	s7 =	sld [smem:$0x3F9F]  }
0x1a: {  	s8 =	sadd.s32 $0xFFFFE003, lr  }
0x1b: {  	s9 =	sadd.s32 $0xFFFFFEF7, lr;
	s5 =	simm.s32 $0xFFFFFFFF;
	p2 =	slt.u32 s8, $0xFFFFF086  }
0x1c: {  	p1 =	slt.u32 s9, $0xF7A;
	s5 =	simm.s32 @!p2 $0x0  }
0x1d: {  	s5 =	simm.s32 @p1 $0x1;
	p0 =	seq.s32 s7, s2  }
0x1e: {  	s7 =	smul.u32 @!p0 $0xF7A, s2;
	p2 =	seq.s32 @!p0 s5, $0x0  }
0x1f: {  	s9 =	smul.u32 $0xF7A, s1;
	s8 =	simm.s32 @!p0 $0x1BF5;
	p2 =	por !p2, p0  }
0x20: {  	[sflag:s8] =	ssyncset.s32 @!p0 $0xFFFFF086;
	s6 =	sadd.s32 @!p0 s3, s7;
	s7 =	simm.s32 @!p0 $0x108  }
0x21: {  	s3 =	sadd.s32 s3, s9;
	s6 =	sadd.s32 @!p0 $0x88, s6;
	s7 =	simm.s32 @p2 $0x1082  }
0x22: {  	[simem:s7], [sflag:s8] =	dma.local @!p0 [hbm:s6], $0xF7A  }
0x23: {  	s9 =	sor.u32 $0xD0000000, s2;
	s6 =	simm.s32 $0x108;
	_ =	swait.ge @!p0 [sflag:s8], $0x0  }
0x24: {  	s3 =	sadd.s32 $0x88, s3;
	s6 =	simm.s32 @!p1 $0x1082;
	[sflag:s4] =	ssyncset.s32 $0xFFFFF086  }
0x25: {  	[simem:s6], [sflag:s4] =	dma.local [hbm:s3], $0xF7A  }
0x26: {  	[smem:$0x3F9F] =	sst s1;
	(tag) =	ssettag s2;
	_ =	strace s9  }
0x27: {  	s1 =	sld [smem:$0x3FAF]  }
0x28: {  	s2 =	sld [smem:$0x3FB0]  }
0x29: {  	s4 =	sld [smem:$0x3FB2]  }
0x2a: {  	p0 =	seq.s32 s5, $0x0;
	s5 =	sld [smem:$0x3FB3]  }
0x2b: {  	s6 =	sld [smem:$0x3FB4]  }
0x2c: {  	s7 =	sld [smem:$0x3FB5]  }
0x2d: {  	s3 =	simm.s32 $0x108;
	s8 =	sld [smem:$0x3FB6]  }
0x2e: {  	s3 =	simm.s32 @!p0 $0x1082;
	s9 =	sld [smem:$0x3FB7]  }
0x2f: {  	lr =	sadd.s32 s0, s3;
	s0 =	sld [smem:$0x3FAE]  }
0x30: {  	s3 =	sld [smem:$0x3FB1]  }
0x31: {  	[smem:$0x3FBA] =	sst s10  }
0x32: {  	s10 =	sld [smem:$0x3FB8];
	_ =	sdelay $0x3  }
0x33: {  	p0 =	seq.s32 s10, $0x1;
	s10 =	sld [smem:$0x3FBA];
	_ =	sdelay $0x3  }
0x34: {  	[smem:$0x3FBA] =	sst s10  }
0x35: {  	s10 =	sld [smem:$0x3FB9];
	_ =	sdelay $0x3  }
0x36: {  	p1 =	seq.s32 s10, $0x1;
	s10 =	sld [smem:$0x3FBA];
	_ =	sdelay $0x3  }
0x37: {  	[smem:$0x3FBA] =	sst s10  }
0x38: {  	s10 =	sld [smem:$0x3FBB]  }
0x39: {  	_ = 	snop;
	(pc) =	sbr.ind lr, $3  }
0x3a: {  	_ = 	snop  }
0x3b: {  	_ = 	snop  }
0x3c: {  	p2 =	seq.s32 s10, $0x1;
	s10 =	sld [smem:$0x3FBA]  }
0x3d: {  	_ =	shalt  }
0x3e: {  	_ =	shalt  }
0x3f: {  	_ =	shalt  }
0x40: {  	_ =	shalt  }
0x41: {  	_ =	shalt  }
0x42: {  	_ =	shalt  }
0x43: {  	_ =	shalt  }
0x44: {  	_ =	shalt  }
0x45: {  	_ =	shalt  }
0x46: {  	_ =	shalt  }
0x47: {  	_ =	shalt  }
0x48: {  	_ =	shalt  }
0x49: {  	_ =	shalt  }
0x4a: {  	_ =	shalt  }
0x4b: {  	_ =	shalt  }
0x4c: {  	_ =	shalt  }
0x4d: {  	_ =	shalt  }
0x4e: {  	_ =	shalt  }
0x4f: {  	_ =	shalt  }
0x50: {  	_ =	shalt  }
0x51: {  	_ =	shalt  }
0x52: {  	_ =	shalt  }
0x53: {  	_ =	shalt  }
0x54: {  	_ =	shalt  }
0x55: {  	_ =	shalt  }
0x56: {  	_ =	shalt  }
0x57: {  	_ =	shalt  }
0x58: {  	_ =	shalt  }
0x59: {  	_ =	shalt  }
0x5a: {  	_ =	shalt  }
0x5b: {  	_ =	shalt  }
0x5c: {  	_ =	shalt  }
0x5d: {  	_ =	shalt  }
0x5e: {  	_ =	shalt  }
0x5f: {  	_ =	shalt  }
0x60: {  	_ =	shalt  }
0x61: {  	_ =	shalt  }
0x62: {  	_ =	shalt  }
0x63: {  	_ =	shalt  }
0x64: {  	_ =	shalt  }
0x65: {  	_ =	shalt  }
0x66: {  	_ =	shalt  }
0x67: {  	_ =	shalt  }
0x68: {  	_ =	shalt  }
0x69: {  	_ =	shalt  }
0x6a: {  	_ =	shalt  }
0x6b: {  	_ =	shalt  }
0x6c: {  	_ =	shalt  }
0x6d: {  	_ =	shalt  }
0x6e: {  	_ =	shalt  }
0x6f: {  	_ =	shalt  }
0x70: {  	_ =	shalt  }
0x71: {  	_ =	shalt  }
0x72: {  	_ =	shalt  }
0x73: {  	_ =	shalt  }
0x74: {  	_ =	shalt  }
0x75: {  	_ =	shalt  }
0x76: {  	_ =	shalt  }
0x77: {  	_ =	shalt  }
0x78: {  	_ =	shalt  }
0x79: {  	_ =	shalt  }
0x7a: {  	_ =	shalt  }
0x7b: {  	_ =	shalt  }
0x7c: {  	_ =	shalt  }
0x7d: {  	_ =	shalt  }
0x7e: {  	_ =	shalt  }
0x7f: {  	_ =	shalt  }
0x80: {  	_ =	shalt  }
0x81: {  	_ =	shalt  }
0x82: {  	_ =	shalt  }
0x83: {  	_ =	shalt  }
0x84: {  	_ =	shalt  }
0x85: {  	_ =	shalt  }
0x86: {  	_ =	shalt  }
0x87: {  	_ =	shalt  }
.Lfunc_end0:
.L_simem_size_0:
called_computation_lowered:
.L_overlay_start_0:
0x88: {  	s2 =	sld [smem:$0x3FD9]  }
0x89: {  	s3 =	sld [smem:$0x3FFE];
	_ =	sdelay $0x1  }
0x8a: {  	s1 =	srdreg.scid  }
0x8b: {  	s0 =	sand.u32 $0x1, s1  }
0x8c: {  	s14 =	sshll.u32 s0, $0xA;
	s2 =	sadd.s32 s3, s2  }
0x8d: {  	s2 =	sadd.s32 s2, s14  }
0x8e: {  	[smem:$0x3FC6] =	sst s2  }
0x8f: {  	_ = 	snop  }
0x90: {  	s2 =	sld [smem:$0x3FD0];
	_ =	sdelay $0x2  }
0x91: {  	s4 =	simm.s32 $0xA;
	s5 =	simm.s32 $0x10;
	s15 =	sld [smem:$0x3FC8]  }
0x92: {  	[smem:s5], [sflag:s4] =	dma.local [hbm:s2], $0x1  }
0x93: {  	_ =	swait.eq [sflag:s4], $0x1  }
0x94: {  	[sflag:s4] =	ssyncset.done $0x0  }
0x95: {  	[sflag:s4] =	ssyncadd.s32 $0xFFFFFFFF  }
0x96: {  	s16 =	sld [smem:$0x12];
	(tm) =	ssettm $0x1  }
0x97: {  	s17 =	sld [smem:$0x3FFB];
	_ =	sdelay $0x3  }
0x98: {  	_ =	strace s17  }
0x99: {  	s4 =	sld [smem:$0x3FFC];
	_ =	sdelay $0x3  }
0x9a: {  	_ =	strace s4  }
0x9b: {  	s4 =	sld [smem:$0x3FFD];
	_ =	sdelay $0x3  }
0x9c: {  	_ =	strace s4  }
0x9d: {  	_ =	strace $0x8FFFFFFF  }
0x9e: {  	s18 =	sld [smem:$0x3FDB];
	_ =	sdelay $0x1  }
0x9f: {  	s19 =	simm.s32 $_scs_section_size  }
0xa0: {  	s6 =	simm.s32 $_size__tile_overlayer_lowered;
	s7 =	simm.s32 $_tile_overlayer_lowered  }
0xa1: {  	s22 =	simm.s32 $0x1BFF;
	s21 =	sshll.u32 s7, $0x1;
	s4 =	sadd.s32 s19, s18  }
0xa2: {  	s8 =	simm.s32 $0x0;
	s20 =	sshll.u32 s6, $0x1;
	s6 =	sadd.s32 s21, s4  }
0xa3: {  	[timem:s8], [sflag:s22] =	dma.local [hbm:s6], s20  }
0xa4: {  	_ =	swait.ge [sflag:s22], s20  }
0xa5: {  	s5 =	ssub.s32 $0x0, s20;
	[sflag:s22] =	ssyncset.done $0x0  }
0xa6: {  	[sflag:s22] =	ssyncadd.s32 s5;
	_ =	sdelay $0x1  }
0xa7: {  	s23 =	simm.s32 $0x1B8B  }
0xa8: {  	_ =	swait.ge [sflag:s23], $0x1  }
0xa9: {  	[sflag:s23] =	ssyncset.done $0x0  }
0xaa: {  	s25 =	simm.s32 $0x1B8E;
	s24 =	sld [smem:$0x3FFE];
	[sflag:s23] =	ssyncadd.s32 $0xFFFFFFFF  }
0xab: {  	s26 =	simm.s32 $execute0_lowered;
	[smem:$0x3FD2] =	sst s25  }
0xac: {  	s6 =	sshll.u32 s26, $0x1;
	_ =	strace $0x80000046;
	[dreg:$0x1] =	wrdreg $0xFFFFFFFF  }
0xad: {  	s28 =	simm.s32 $_size_execute0_lowered;
	s4 =	sadd.s32 s4, s6;
	[dreg:$0x0] =	wrdreg $0x0  }
0xae: {  	s6 =	sshll.u32 s28, $0x1;
	[dreg:$0x2] =	wrdreg s4  }
0xaf: {  	[dreg:$0x3] =	wrdreg s6  }
0xb0: {  	[dreg:$0x4] =	wrdreg $0xC0  }
0xb1: {  	_ =	task [dreg:s8], $0x5FFFF  }
0xb2: {  	[dreg:$0x1] =	wrdreg $0xFFFFFFFF  }
0xb3: {  	[dreg:$0x0] =	wrdreg $0x60  }
0xb4: {  	[dreg:$0x2] =	wrdreg s15  }
0xb5: {  	[dreg:$0x3] =	wrdreg s24  }
0xb6: {  	[dreg:$0x4] =	wrdreg s16  }
0xb7: {  	[dreg:$0x5] =	wrdreg $0x9  }
0xb8: {  	_ =	task.clear_ibuf [dreg:s8], $0x6FFFF;
	_ =	strace $0x90000046  }
0xb9: {  	s29 =	simm.s32 $0x9;
	_ =	strace $0x80000048  }
0xba: {  	_ =	swait.ge [sflag:s29], $0x1  }
0xbb: {  	[sflag:s29] =	ssyncadd.s32 $0xFFFFFFFF  }
0xbc: {  	_ =	strace $0x90000048  }
0xbd: {  	_ =	sfence  }
0xbe: {  	s30 =	sld [smem:$0x0];
	_ =	sdelay $0x2  }
0xbf: {  	s31 =	sshll.u32 s1, $0xD;
	s1 =	sshrl.u32 s1, $0x2  }
0xc0: {  	s3 =	sand.u32 $0x4000, s31;
	s1 =	sadd.s32 s1, s30  }
0xc1: {  	s0 =	sor.u32 s3, s0;
	s1 =	sshll.u32 s1, $0x11  }
0xc2: {  	s0 =	sor.u32 s1, s0  }
0xc3: {  	s0 =	sadd.s32 $0x8F2B, s0  }
0xc4: {  	[sflag:s0] =	ssyncadd.remote.s32 $0x1  }
0xc5: {  	_ =	sfence.sel $0xFFFF  }
0xc6: {  	[dreg:$0x0] =	wrdreg $0xFFFFFFFF;
	(pc) =	sbr.abs _section_cstart, $3  }
0xc7: {  	[dreg:$0x1] =	wrdreg $0xFFFFFFFF  }
0xc8: {  	_ =	task.clear_ibuf [dreg:s8], $0x2FFFF;
	_ =	strace $0x9FFFFFFF  }
0xc9: {  	(tm) =	ssettm $0x7FFFFFFF  }
tec
execute0_lowered:
.L_overlay_start_1:
0x0: {  	(tag) =	ssettag $0x1  }
0x1: {  	s2 =	stileid.u32  }
0x2: {  	p0 =	sgt.u32 s2, $0x6  }
.Ltmp0:
0x3: {  	s1 =	rddreg [dreg:$0x0];
	(pc) =	sbr.rel @p0 .LBB2_3-.Ltmp0, $4  }
0x4: {  	s5 =	rddreg [dreg:$0x1]  }
0x5: {  	s4 =	rddreg [dreg:$0x2];
	s3 =	simm.s32 $0x0  }
0x6: {  	[smem:$0x7FF] =	sst s3  }
0x7: {  	s0 =	rddreg [dreg:$0x3];
	_ =	strace $0x80000047  }
0x8: {  	s6 =	srdreg.scid  }
0x9: {  	s7 =	sshll.u32 s2, $0x1;
	s5 =	sadd.s32 $0x400, s5;
	s6 =	sand.u32 $0x1, s6  }
0xa: {  	s10 =	simm.s32 $0x1080;
	s11 =	simm.s32 $0x1880;
	s7 =	sor.u32 s6, s7  }
0xb: {  	s12 =	simm.s32 $0x2080;
	s6 =	ssub.s32 $0x2, s6;
	s8 =	smul.u32 $0x700, s7  }
0xc: {  	s13 =	simm.s32 $0x2880;
	s9 =	sshrl.u32 s6, $0x1;
	s7 =	smul.u32 $0x7, s7  }
0xd: {  	v2 =	vlaneseq.u32;
	s14 =	simm.s32 $0x3080;
	s15 =	simm.s32 $0x1;
	s6 =	ssub.s32 s6, s9  }
0xe: {  	vm0 =	vmmov $0xffff;
	v1 =	vshrl.u32 v2, $0x3;
	s9 =	simm.s32 $0x880;
	s4 =	sadd.s32 s4, s8;
	s5 =	sadd.s32 s5, s7  }
0xf: {  	v0 =	vand.u32 $0x7, v2;
	v2 =	vor.u32 $0x8, v2;
	v1 =	vmul.u32 $0x8, v1;
	s6 =	smax.u32 s6, $0x1;
	s7 =	simm.s32 $0x2;
	s8 =	simm.s32 $0x80  }
.LBB2_2:
0x10: {  	[tilespmem:s3], [sflag:$0x2] =	stream.linear.gather [hbm4b:s5+s3], $0x38, $0x38;
	[tilespmem:$0x3880] =	vst v63  }
0x11: {  	_ =	swait.ge [sflag:s7], $0x38  }
0x12: {  	[sflag:s7] =	ssyncset.done $0x0  }
0x13: {  	[sflag:s7] =	ssyncadd.s32 $0xFFFFFFC8  }
0x14: {  	v3 =	vld [tilespmem:$0x0];
	_ =	sdelay $0x4  }
0x15: {  	v4 =	vshll.u32 v3, $0x1  }
0x16: {  	v3 =	vand.u32 $0x7, v3;
	v4 =	vand.u32 $0xFFFFFFF0, v4  }
0x17: {  	v3 =	vor.u32 v3, v4  }
0x18: {  	v4 =	vperm.xlane v3, v0;
	_ =	sdelay $0x1  }
0x19: {  	v3 =	vperm.xlane v3, v2;
	v4 =	vadd.s32 v1, v4;
	_ =	sdelay $0x1  }
0x1a: {  	v3 =	vadd.s32 v1, v3;
	_ =	sdelay $0x2  }
0x1b: {  	[tilespmem:s8], [sflag:$0x1] =	stream.indirect_vreg.gather [hbm4b:s1+s3], $0x80, v4, vm0, $0xb8;
	[tilespmem:$0x3880] =	vst v63  }
0x1c: {  	_ = 	snop  }
0x1d: {  	[tilespmem:s9], [sflag:$0x1] =	stream.indirect_vreg.gather [hbm4b:s1+s3], $0x80, v3, vm0, $0xb8;
	[tilespmem:$0x3880] =	vst v63  }
0x1e: {  	v3 =	vld [tilespmem:$0x10];
	_ =	sdelay $0x4  }
0x1f: {  	v61 =	vshll.u32 v3, $0x1  }
0x20: {  	v3 =	vand.u32 $0x7, v3;
	v4 =	vand.u32 $0xFFFFFFF0, v61  }
0x21: {  	v3 =	vor.u32 v3, v4  }
0x22: {  	v4 =	vperm.xlane v3, v0;
	_ =	sdelay $0x1  }
0x23: {  	v3 =	vperm.xlane v3, v2;
	v4 =	vadd.s32 v1, v4;
	_ =	sdelay $0x1  }
0x24: {  	v3 =	vadd.s32 v1, v3;
	_ =	sdelay $0x2  }
0x25: {  	[tilespmem:s10], [sflag:$0x1] =	stream.indirect_vreg.gather [hbm4b:s1+s3], $0x80, v4, vm0, $0xb8;
	[tilespmem:$0x3880] =	vst v63  }
0x26: {  	_ = 	snop  }
0x27: {  	[tilespmem:s11], [sflag:$0x1] =	stream.indirect_vreg.gather [hbm4b:s1+s3], $0x80, v3, vm0, $0xb8;
	[tilespmem:$0x3880] =	vst v63  }
0x28: {  	v3 =	vld [tilespmem:$0x20];
	_ =	sdelay $0x4  }
0x29: {  	v62 =	vshll.u32 v3, $0x1  }
0x2a: {  	v3 =	vand.u32 $0x7, v3;
	v4 =	vand.u32 $0xFFFFFFF0, v62  }
0x2b: {  	v3 =	vor.u32 v3, v4  }
0x2c: {  	v4 =	vperm.xlane v3, v0;
	_ =	sdelay $0x1  }
0x2d: {  	v3 =	vperm.xlane v3, v2;
	v4 =	vadd.s32 v1, v4;
	_ =	sdelay $0x1  }
0x2e: {  	v3 =	vadd.s32 v1, v3;
	_ =	sdelay $0x2  }
0x2f: {  	[tilespmem:s12], [sflag:$0x1] =	stream.indirect_vreg.gather [hbm4b:s1+s3], $0x80, v4, vm0, $0xb8;
	[tilespmem:$0x3880] =	vst v63  }
0x30: {  	_ = 	snop  }
0x31: {  	[tilespmem:s13], [sflag:$0x1] =	stream.indirect_vreg.gather [hbm4b:s1+s3], $0x80, v3, vm0, $0xb8;
	[tilespmem:$0x3880] =	vst v63  }
0x32: {  	v3 =	vld.msk [tilespmem:$0x30], $0xff;
	_ =	sdelay $0x4  }
0x33: {  	v63 =	vshll.u32 v3, $0x1  }
0x34: {  	v3 =	vand.u32 $0x7, v3;
	v4 =	vand.u32 $0xFFFFFFF0, v63  }
0x35: {  	v3 =	vor.u32 v3, v4  }
0x36: {  	v3 =	vperm.xlane v3, v0;
	_ =	sdelay $0x1  }
0x37: {  	v3 =	vadd.s32 v1, v3;
	_ =	sdelay $0x4  }
0x38: {  	[tilespmem:s14], [sflag:$0x1] =	stream.indirect_vreg.gather [hbm4b:s1+s3], $0x80, v3, vm0, $0xb8;
	[tilespmem:$0x3880] =	vst v63  }
0x39: {  	_ =	swait.ge [sflag:s15], $0x3800  }
0x3a: {  	p0 =	sne.s32 s6, $0x1;
	[sflag:s15] =	ssyncset.done $0x0  }
.Ltmp1:
0x3b: {  	[sflag:s15] =	ssyncadd.s32 $0xFFFFC800;
	(pc) =	sbr.rel @p0 .LBB2_2-.Ltmp1, $4  }
0x3c: {  	[hbm4b:s4+s3] =	stream.linear.scatter [tilespmem:s8], [sflag:$0x2], $0x3800, $0x38;
	[tilespmem:$0x3880] =	vst v63  }
0x3d: {  	_ =	swait.ge [sflag:s7], $0x3800  }
0x3e: {  	[sflag:s7] =	ssyncset.done $0x0  }
0x3f: {  	s6 =	sadd.s32 $0xFFFFFFFF, s6;
	[sflag:s7] =	ssyncadd.s32 $0xFFFFC800  }
.LBB2_3:
0x40: {  	_ =	sfence.sel $0x180000  }
0x41: {  	[bflag:$0x0] =	sbarrier.arrive $0xFFFF  }
0x42: {  	p0 =	sne.s32 s2, $0x0;
	_ =	strace $0x90000047  }
0x43: {  	s0 =	sadd.s32 @!p0 $0x100000, s0;
	[bflag:$0x2] =	sbarrier.arrive $0xFFFF  }
0x44: {  	[sflag:s0] =	ssyncadd.tile.s32 @!p0 $0x1;
	_ =	shalt  }
.Lfunc_end2:
_tile_overlayer_lowered:
.L_overlay_start_2:
0x45: {  	(tag) =	ssettag $0x2  }
0x46: {  	s0 =	rddreg [dreg:$0x0];
	s2 =	stileid.u32  }
0x47: {  	s1 =	rddreg [dreg:$0x1];
	p0 =	sne.s32 s2, $0x0  }
0x48: {  	s3 =	rddreg [dreg:$0x2];
	[bflag:$0x3] =	sbarrier.arrive $0xFFFF;
	s2 =	simm.s32 @!p0 $0x1C02  }
0x49: {  	[timem:s3], [sflag:s2] =	dma.local @!p0 [hbm:s0], s1  }
0x4a: {  	s0 =	simm.s32 @!p0 $0x2  }
0x4b: {  	_ =	swait.ge @!p0 [sflag:s0], s1  }
0x4c: {  	s1 =	ssub.s32 @!p0 $0x0, s1;
	[sflag:s0] =	ssyncset.done @!p0 $0x0  }
0x4d: {  	[sflag:s0] =	ssyncadd.s32 @!p0 s1  }
0x4e: {  	[bflag:$0x3] =	sbarrier.arrive $0xFFFF  }
0x4f: {  	_ =	shalt  }

</sc_bundles>
